<compile_context>
chip_gen: v7x
topology: tpu7x:2x2x1
jax: 0.10.2.dev20260603
libtpu: 0.0.44.dev20260713+nightly
codegen_flags: <defaults>
</compile_context>

<pallas_src>
import functools

import jax
import jax.numpy as jnp
from jax import lax
from jax.experimental import pallas as pl
from jax.experimental.pallas import tpu as pltpu
from jax.experimental.pallas import tpu_sc as plsc

_K = 1024
_D = 256
_TOK_BLK = 2304

_NW = 32
_NTOK = 4608
_BPW = _NTOK // _NW
_UCHUNKS = _NTOK // 16 // 16


def _dist_argmin_body(xsq_ref, esq_ref, x_ref, emb_ref, idx_ref):
    x = x_ref[...]
    t = x.shape[0]
    cross = lax.dot_general(
        x, emb_ref[...], (((1,), (1,)), ((), ())),
        preferred_element_type=jnp.float32)
    xsq_col = xsq_ref[...].reshape(t, 1)
    esq_row = esq_ref[...].reshape(1, _K)
    s = (xsq_col + esq_row) - 2.0 * cross
    dist = jnp.sqrt(jnp.maximum(s, 0.0))
    m = jnp.min(dist, axis=-1, keepdims=True)
    iota = lax.broadcasted_iota(jnp.int32, (t, _K), 1).astype(jnp.float32)
    idx_f = jnp.min(jnp.where(dist == m, iota, float(_K)), axis=-1,
                    keepdims=True)
    idx_ref[...] = idx_f.astype(jnp.int32)


def _dist_argmin(xsq3, esq2, x2, embedding, interpret=False):
    grid = _NTOK // _TOK_BLK
    return pl.pallas_call(
        _dist_argmin_body,
        grid=(grid,),
        in_specs=[
            pl.BlockSpec((1, 1, _TOK_BLK), lambda i: (i, 0, 0)),
            pl.BlockSpec((1, _K), lambda i: (0, 0)),
            pl.BlockSpec((_TOK_BLK, _D), lambda i: (i, 0)),
            pl.BlockSpec((_K, _D), lambda i: (0, 0)),
        ],
        out_specs=pl.BlockSpec((_TOK_BLK, 1), lambda i: (i, 0)),
        out_shape=jax.ShapeDtypeStruct((_NTOK, 1), jnp.int32),
        interpret=interpret,
    )(xsq3, esq2, x2, embedding)


def _sc_post(embedding, idx_flat):
    mesh = plsc.VectorSubcoreMesh(core_axis_name="c", subcore_axis_name="s")

    @functools.partial(
        pl.kernel,
        mesh=mesh,
        compiler_params=pltpu.CompilerParams(needs_layout_passes=False),
        out_type=[
            jax.ShapeDtypeStruct((_NTOK, _D), jnp.float32),
            jax.ShapeDtypeStruct((16,), jnp.float32),
        ],
        scratch_types=[
            pltpu.VMEM((_BPW,), jnp.int32),
            pltpu.VMEM((_BPW, _D), jnp.float32),
            pltpu.VMEM((_NTOK,), jnp.int32),
            pltpu.VMEM((_K,), jnp.float32),
            pltpu.VMEM((16,), jnp.float32),
            pltpu.SemaphoreType.DMA,
        ],
    )
    def k(emb_hbm, idx_hbm, out_hbm, usage_hbm, idx_v, rows_v,
          idxu_v, occ_v, usage_v, sem):
        cid = lax.axis_index("c")
        sid = lax.axis_index("s")
        wid = sid * 2 + cid
        base = wid * _BPW
        pltpu.sync_copy(idx_hbm.at[pl.ds(base, _BPW)], idx_v)
        gat = pltpu.async_copy(emb_hbm.at[idx_v], rows_v, sem)

        zeros16 = jnp.zeros((16,), jnp.float32)
        ones16 = jnp.ones((16,), jnp.float32)

        @pl.when((cid == 0) & (sid == 0))
        def _usage():
            pltpu.sync_copy(idx_hbm, idxu_v)

            def _zrow(i, c):
                for j in range(8):
                    occ_v[pl.ds(i * 128 + j * 16, 16)] = zeros16
                return c

            lax.fori_loop(0, _K // 128, _zrow, 0)

            def _srow(i, c):
                for j in range(8):
                    iv = idxu_v[pl.ds(i * 128 + j * 16, 16)]
                    plsc.store_scatter(occ_v, [iv], ones16)
                return c

            lax.fori_loop(0, _NTOK // 128, _srow, 0)

            def _crow(i, acc):
                for j in range(8):
                    v = occ_v[pl.ds(i * 128 + j * 16, 16)]
                    acc = acc + jnp.where(v == 0.0, 1.0, 0.0)
                return acc

            acc = lax.fori_loop(0, _K // 128, _crow, zeros16)
            tot = jnp.sum(acc)
            usage_v[...] = zeros16 + tot * (1.0 / _K)
            pltpu.sync_copy(usage_v, usage_hbm)

        gat.wait()
        pltpu.sync_copy(rows_v, out_hbm.at[pl.ds(base, _BPW)])

    return k(embedding, idx_flat)


def kernel(x, embedding):
    x = x.astype(jnp.float32)
    b, n, _ = x.shape
    x_sq = jnp.sum(x * x, axis=-1)
    e_sq = jnp.sum(embedding * embedding, axis=-1)
    x2 = x.reshape(_NTOK, _D)
    xsq3 = x_sq.reshape(_NTOK // _TOK_BLK, 1, _TOK_BLK)
    idx_flat = _dist_argmin(xsq3, e_sq.reshape(1, _K), x2,
                            embedding).reshape(_NTOK)
    quantized, usage16 = _sc_post(embedding, idx_flat)
    return (quantized.reshape(b, n, _D), idx_flat.reshape(b, n),
            usage16[0].reshape(()))

# --- scband reference (transcript-rebuilt; emitter-appended) ---
"""Pipeline reference for scband-euclidean-codebook-61521111547966 (READ-ONLY COPY).

The authoritative reference and input builder live on the scoring server;
editing this copy changes nothing except your own understanding.
"""

import jax, jax.numpy as jnp
import numpy as np

NUM_EMBEDDINGS = 1024
EMBEDDING_DIM = 256

def setup_inputs(seed: int = 0) -> dict:
    key = jax.random.key(seed)
    k1, k2 = jax.random.split(key)
    x = jax.random.normal(k1, (8, 576, EMBEDDING_DIM), dtype=jnp.float32)
    bound = 1.0 / NUM_EMBEDDINGS
    embedding = jax.random.uniform(k2, (NUM_EMBEDDINGS, EMBEDDING_DIM), minval=-bound, maxval=bound, dtype=jnp.float32)
    return {"x": x, "embedding": embedding}

def reference(x, embedding):
    x = x.astype(jnp.float32)
    K = embedding.shape[0]
    # x is already [b, n, c] so rearrange 'b ... c -> b (...) c' is identity here
    flatten_x = x
    # torch.cdist(flatten_x, embedding, p=2)
    x_sq = jnp.sum(flatten_x * flatten_x, axis=-1, keepdims=True)          # [b, n, 1]
    e_sq = jnp.sum(embedding * embedding, axis=-1)                          # [K]
    cross = jnp.einsum('bnc,kc->bnk', flatten_x, embedding)                 # [b, n, K]
    dist_sq = x_sq + e_sq[None, None, :] - 2.0 * cross
    distance = jnp.sqrt(jnp.maximum(dist_sq, 0.0))
    embed_idx = jnp.argmin(distance, axis=-1)                               # [b, n] int
    embed_idx_onehot = jax.nn.one_hot(embed_idx, K, dtype=jnp.float32)      # [b, n, K]
    quantized = jnp.einsum('bnk,kc->bnc', embed_idx_onehot, embedding)      # [b, n, c]
    codebook_cnt = jnp.bincount(embed_idx.reshape(-1), length=K)
    zero_cnt = jnp.sum(codebook_cnt == 0)
    code_usage = zero_cnt / K
    return (quantized, embed_idx, code_usage)

if __name__ == "__main__":
    import jax
    _d = setup_inputs()
    print(jax.jit(kernel)(*tuple(_d.values())))

</pallas_src>

<mosaic_0001>
#map = affine_map<(d0, d1) -> (0, 0)>
#map1 = affine_map<(d0, d1) -> (0)>
module attributes {stable_mosaic.version = 14 : i64} {
  func.func @k(%arg0: i32, %arg1: i32, %arg2: memref<1024x256xf32, #tpu.memory_space<hbm>>, %arg3: memref<4608xi32, #tpu.memory_space<hbm>>, %arg4: memref<4608x256xf32, #tpu.memory_space<hbm>>, %arg5: memref<16xf32, #tpu.memory_space<hbm>>, %arg6: memref<144xi32, #tpu.memory_space<vmem>>, %arg7: memref<144x256xf32, #tpu.memory_space<vmem>>, %arg8: memref<4608xi32, #tpu.memory_space<vmem>>, %arg9: memref<1024xf32, #tpu.memory_space<vmem>>, %arg10: memref<16xf32, #tpu.memory_space<vmem>>, %arg11: memref<!tpu.dma_semaphore, #tpu.memory_space<semaphore_mem>>) attributes {dimension_semantics = [#tpu.dimension_semantics<core_parallel>, #tpu.dimension_semantics<subcore_parallel>], iteration_bounds = array<i64: 2, 16>, scalar_prefetch = 0 : i64, scratch_operands = 6 : i64, tpu.core_type = #tpu.core_type<sc_vector_subcore>, window_params = [{transform_indices = #map}, {transform_indices = #map1}, {transform_indices = #map}, {transform_indices = #map1}]} {
    %mul3A = arith.constant 2 : i32
    %mul3A_0 = arith.muli %arg1, %mul3A : i32
    %add3A = arith.addi %mul3A_0, %arg0 : i32
    %mul3A_1 = arith.constant 144 : i32
    %mul3A_2 = arith.muli %add3A, %mul3A_1 : i32
    "tpu.region"() ({
      %run_scoped3A = tpu.sem_alloc : memref<!tpu.dma_semaphore, #tpu.memory_space<semaphore_mem>>
      %dma_start3A_14 = tpu.memref_slice %arg3[%mul3A_2] : memref<4608xi32, #tpu.memory_space<hbm>> -> memref<144xi32, #tpu.memory_space<hbm>>
      %dma_start3A_15 = tpu.memref_slice %arg3[%mul3A_2] : memref<4608xi32, #tpu.memory_space<hbm>> -> memref<144xi32, #tpu.memory_space<hbm>>
      tpu.enqueue_dma source(%dma_start3A_15 : memref<144xi32, #tpu.memory_space<hbm>>) target(%arg6 : memref<144xi32, #tpu.memory_space<vmem>>) target_semaphore(%run_scoped3A : memref<!tpu.dma_semaphore, #tpu.memory_space<semaphore_mem>>)
      %dma_wait3A_16 = tpu.memref_slice %arg3[%mul3A_2] : memref<4608xi32, #tpu.memory_space<hbm>> -> memref<144xi32, #tpu.memory_space<hbm>>
      %dma_wait3A_17 = tpu.memref_slice %arg3[%mul3A_2] : memref<4608xi32, #tpu.memory_space<hbm>> -> memref<144xi32, #tpu.memory_space<hbm>>
      tpu.wait_dma2 semaphore(%run_scoped3A : memref<!tpu.dma_semaphore, #tpu.memory_space<semaphore_mem>>) src(%dma_wait3A_17 : memref<144xi32, #tpu.memory_space<hbm>>) dst(%arg6 : memref<144xi32, #tpu.memory_space<vmem>>)
      tpu.yield
    }) : () -> ()
    %dma_start3A = arith.constant 0 : i32
    %dma_start3A_3 = arith.constant 0 : i32
    %dma_start3A_4 = tpu.memref_slice %arg2[%dma_start3A, %dma_start3A_3] : memref<1024x256xf32, #tpu.memory_space<hbm>> -> memref<1024x256xf32, #tpu.memory_space<hbm>>
    tpu.enqueue_indirect_dma source(%dma_start3A_4 : memref<1024x256xf32, #tpu.memory_space<hbm>>) target(%arg7 : memref<144x256xf32, #tpu.memory_space<vmem>>) offsets(%arg6 : memref<144xi32, #tpu.memory_space<vmem>>) semaphore(%arg11 : memref<!tpu.dma_semaphore, #tpu.memory_space<semaphore_mem>>)
    %broadcast_in_dim3A = arith.constant 0.000000e+00 : f32
    %broadcast_in_dim3A_5 = vector.broadcast %broadcast_in_dim3A : f32 to vector<16xf32>
    %broadcast_in_dim3A_6 = arith.constant 1.000000e+00 : f32
    %broadcast_in_dim3A_7 = vector.broadcast %broadcast_in_dim3A_6 : f32 to vector<16xf32>
    %eq3A = arith.constant 0 : i32
    %eq3A_8 = arith.cmpi eq, %arg0, %eq3A : i32
    %eq3A_9 = arith.constant 0 : i32
    %eq3A_10 = arith.cmpi eq, %arg1, %eq3A_9 : i32
    %and3A = arith.andi %eq3A_8, %eq3A_10 : i1
    %convert_element_type3A = arith.extui %and3A : i1 to i32
    %cond3A = arith.constant 0 : i32
    %cond3A_11 = arith.cmpi ne, %convert_element_type3A, %cond3A : i32
    scf.if %cond3A_11 {
      "tpu.region"() ({
        %run_scoped3A = tpu.sem_alloc : memref<!tpu.dma_semaphore, #tpu.memory_space<semaphore_mem>>
        tpu.enqueue_dma source(%arg3 : memref<4608xi32, #tpu.memory_space<hbm>>) target(%arg8 : memref<4608xi32, #tpu.memory_space<vmem>>) target_semaphore(%run_scoped3A : memref<!tpu.dma_semaphore, #tpu.memory_space<semaphore_mem>>)
        tpu.wait_dma2 semaphore(%run_scoped3A : memref<!tpu.dma_semaphore, #tpu.memory_space<semaphore_mem>>) src(%arg3 : memref<4608xi32, #tpu.memory_space<hbm>>) dst(%arg8 : memref<4608xi32, #tpu.memory_space<vmem>>)
        tpu.yield
      }) : () -> ()
      %scan3A = arith.constant 0 : i32
      %scan3A_14 = arith.constant 0 : i32
      %scan3A_15 = arith.constant 8 : i32
      %scan3A_16 = arith.addi %scan3A_14, %scan3A_15 : i32
      %scan3A_17 = arith.constant 1 : i32
      scf.for %scan3A_39 = %scan3A_14 to %scan3A_16 step %scan3A_17  : i32 {
        %mul3A_40 = arith.constant 128 : i32
        %mul3A_41 = arith.muli %scan3A_39, %mul3A_40 : i32
        %add3A_42 = arith.constant 0 : i32
        %add3A_43 = arith.addi %mul3A_41, %add3A_42 : i32
        %swap3A_44 = arith.index_cast %add3A_43 : i32 to index
        %swap3A_45 = tpu.vector_load %arg9[%swap3A_44] {strides = array<i32>} : memref<1024xf32, #tpu.memory_space<vmem>>, vector<16xf32>,
        tpu.vector_store %arg9[%swap3A_44], %broadcast_in_dim3A_5 {strides = array<i32>} : memref<1024xf32, #tpu.memory_space<vmem>>, vector<16xf32>,
        %mul3A_46 = arith.constant 128 : i32
        %mul3A_47 = arith.muli %scan3A_39, %mul3A_46 : i32
        %add3A_48 = arith.constant 16 : i32
        %add3A_49 = arith.addi %mul3A_47, %add3A_48 : i32
        %swap3A_50 = arith.index_cast %add3A_49 : i32 to index
        %swap3A_51 = tpu.vector_load %arg9[%swap3A_50] {strides = array<i32>} : memref<1024xf32, #tpu.memory_space<vmem>>, vector<16xf32>,
        tpu.vector_store %arg9[%swap3A_50], %broadcast_in_dim3A_5 {strides = array<i32>} : memref<1024xf32, #tpu.memory_space<vmem>>, vector<16xf32>,
        %mul3A_52 = arith.constant 128 : i32
        %mul3A_53 = arith.muli %scan3A_39, %mul3A_52 : i32
        %add3A_54 = arith.constant 32 : i32
        %add3A_55 = arith.addi %mul3A_53, %add3A_54 : i32
        %swap3A_56 = arith.index_cast %add3A_55 : i32 to index
        %swap3A_57 = tpu.vector_load %arg9[%swap3A_56] {strides = array<i32>} : memref<1024xf32, #tpu.memory_space<vmem>>, vector<16xf32>,
        tpu.vector_store %arg9[%swap3A_56], %broadcast_in_dim3A_5 {strides = array<i32>} : memref<1024xf32, #tpu.memory_space<vmem>>, vector<16xf32>,
        %mul3A_58 = arith.constant 128 : i32
        %mul3A_59 = arith.muli %scan3A_39, %mul3A_58 : i32
        %add3A_60 = arith.constant 48 : i32
        %add3A_61 = arith.addi %mul3A_59, %add3A_60 : i32
        %swap3A_62 = arith.index_cast %add3A_61 : i32 to index
        %swap3A_63 = tpu.vector_load %arg9[%swap3A_62] {strides = array<i32>} : memref<1024xf32, #tpu.memory_space<vmem>>, vector<16xf32>,
        tpu.vector_store %arg9[%swap3A_62], %broadcast_in_dim3A_5 {strides = array<i32>} : memref<1024xf32, #tpu.memory_space<vmem>>, vector<16xf32>,
        %mul3A_64 = arith.constant 128 : i32
        %mul3A_65 = arith.muli %scan3A_39, %mul3A_64 : i32
        %add3A_66 = arith.constant 64 : i32
        %add3A_67 = arith.addi %mul3A_65, %add3A_66 : i32
        %swap3A_68 = arith.index_cast %add3A_67 : i32 to index
        %swap3A_69 = tpu.vector_load %arg9[%swap3A_68] {strides = array<i32>} : memref<1024xf32, #tpu.memory_space<vmem>>, vector<16xf32>,
        tpu.vector_store %arg9[%swap3A_68], %broadcast_in_dim3A_5 {strides = array<i32>} : memref<1024xf32, #tpu.memory_space<vmem>>, vector<16xf32>,
        %mul3A_70 = arith.constant 128 : i32
        %mul3A_71 = arith.muli %scan3A_39, %mul3A_70 : i32
        %add3A_72 = arith.constant 80 : i32
        %add3A_73 = arith.addi %mul3A_71, %add3A_72 : i32
        %swap3A_74 = arith.index_cast %add3A_73 : i32 to index
        %swap3A_75 = tpu.vector_load %arg9[%swap3A_74] {strides = array<i32>} : memref<1024xf32, #tpu.memory_space<vmem>>, vector<16xf32>,
        tpu.vector_store %arg9[%swap3A_74], %broadcast_in_dim3A_5 {strides = array<i32>} : memref<1024xf32, #tpu.memory_space<vmem>>, vector<16xf32>,
        %mul3A_76 = arith.constant 128 : i32
        %mul3A_77 = arith.muli %scan3A_39, %mul3A_76 : i32
        %add3A_78 = arith.constant 96 : i32
        %add3A_79 = arith.addi %mul3A_77, %add3A_78 : i32
        %swap3A_80 = arith.index_cast %add3A_79 : i32 to index
        %swap3A_81 = tpu.vector_load %arg9[%swap3A_80] {strides = array<i32>} : memref<1024xf32, #tpu.memory_space<vmem>>, vector<16xf32>,
        tpu.vector_store %arg9[%swap3A_80], %broadcast_in_dim3A_5 {strides = array<i32>} : memref<1024xf32, #tpu.memory_space<vmem>>, vector<16xf32>,
        %mul3A_82 = arith.constant 128 : i32
        %mul3A_83 = arith.muli %scan3A_39, %mul3A_82 : i32
        %add3A_84 = arith.constant 112 : i32
        %add3A_85 = arith.addi %mul3A_83, %add3A_84 : i32
        %swap3A_86 = arith.index_cast %add3A_85 : i32 to index
        %swap3A_87 = tpu.vector_load %arg9[%swap3A_86] {strides = array<i32>} : memref<1024xf32, #tpu.memory_space<vmem>>, vector<16xf32>,
        tpu.vector_store %arg9[%swap3A_86], %broadcast_in_dim3A_5 {strides = array<i32>} : memref<1024xf32, #tpu.memory_space<vmem>>, vector<16xf32>,
      }
      %scan3A_18 = arith.constant 8 : i32
      %scan3A_19 = arith.constant 0 : i32
      %scan3A_20 = arith.constant 0 : i32
      %scan3A_21 = arith.constant 36 : i32
      %scan3A_22 = arith.addi %scan3A_20, %scan3A_21 : i32
      %scan3A_23 = arith.constant 1 : i32
      scf.for %scan3A_39 = %scan3A_20 to %scan3A_22 step %scan3A_23  : i32 {
        %mul3A_40 = arith.constant 128 : i32
        %mul3A_41 = arith.muli %scan3A_39, %mul3A_40 : i32
        %add3A_42 = arith.constant 0 : i32
        %add3A_43 = arith.addi %mul3A_41, %add3A_42 : i32
        %get3A = arith.index_cast %add3A_43 : i32 to index
        %get3A_44 = tpu.vector_load %arg8[%get3A] {strides = array<i32>} : memref<4608xi32, #tpu.memory_space<vmem>>, vector<16xi32>,
        tpu.vector_store_idx %arg9[%get3A_44], %broadcast_in_dim3A_7 : memref<1024xf32, #tpu.memory_space<vmem>>[vector<16xi32>], vector<16xf32>,
        %mul3A_45 = arith.constant 128 : i32
        %mul3A_46 = arith.muli %scan3A_39, %mul3A_45 : i32
        %add3A_47 = arith.constant 16 : i32
        %add3A_48 = arith.addi %mul3A_46, %add3A_47 : i32
        %get3A_49 = arith.index_cast %add3A_48 : i32 to index
        %get3A_50 = tpu.vector_load %arg8[%get3A_49] {strides = array<i32>} : memref<4608xi32, #tpu.memory_space<vmem>>, vector<16xi32>,
        tpu.vector_store_idx %arg9[%get3A_50], %broadcast_in_dim3A_7 : memref<1024xf32, #tpu.memory_space<vmem>>[vector<16xi32>], vector<16xf32>,
        %mul3A_51 = arith.constant 128 : i32
        %mul3A_52 = arith.muli %scan3A_39, %mul3A_51 : i32
        %add3A_53 = arith.constant 32 : i32
        %add3A_54 = arith.addi %mul3A_52, %add3A_53 : i32
        %get3A_55 = arith.index_cast %add3A_54 : i32 to index
        %get3A_56 = tpu.vector_load %arg8[%get3A_55] {strides = array<i32>} : memref<4608xi32, #tpu.memory_space<vmem>>, vector<16xi32>,
        tpu.vector_store_idx %arg9[%get3A_56], %broadcast_in_dim3A_7 : memref<1024xf32, #tpu.memory_space<vmem>>[vector<16xi32>], vector<16xf32>,
        %mul3A_57 = arith.constant 128 : i32
        %mul3A_58 = arith.muli %scan3A_39, %mul3A_57 : i32
        %add3A_59 = arith.constant 48 : i32
        %add3A_60 = arith.addi %mul3A_58, %add3A_59 : i32
        %get3A_61 = arith.index_cast %add3A_60 : i32 to index
        %get3A_62 = tpu.vector_load %arg8[%get3A_61] {strides = array<i32>} : memref<4608xi32, #tpu.memory_space<vmem>>, vector<16xi32>,
        tpu.vector_store_idx %arg9[%get3A_62], %broadcast_in_dim3A_7 : memref<1024xf32, #tpu.memory_space<vmem>>[vector<16xi32>], vector<16xf32>,
        %mul3A_63 = arith.constant 128 : i32
        %mul3A_64 = arith.muli %scan3A_39, %mul3A_63 : i32
        %add3A_65 = arith.constant 64 : i32
        %add3A_66 = arith.addi %mul3A_64, %add3A_65 : i32
        %get3A_67 = arith.index_cast %add3A_66 : i32 to index
        %get3A_68 = tpu.vector_load %arg8[%get3A_67] {strides = array<i32>} : memref<4608xi32, #tpu.memory_space<vmem>>, vector<16xi32>,
        tpu.vector_store_idx %arg9[%get3A_68], %broadcast_in_dim3A_7 : memref<1024xf32, #tpu.memory_space<vmem>>[vector<16xi32>], vector<16xf32>,
        %mul3A_69 = arith.constant 128 : i32
        %mul3A_70 = arith.muli %scan3A_39, %mul3A_69 : i32
        %add3A_71 = arith.constant 80 : i32
        %add3A_72 = arith.addi %mul3A_70, %add3A_71 : i32
        %get3A_73 = arith.index_cast %add3A_72 : i32 to index
        %get3A_74 = tpu.vector_load %arg8[%get3A_73] {strides = array<i32>} : memref<4608xi32, #tpu.memory_space<vmem>>, vector<16xi32>,
        tpu.vector_store_idx %arg9[%get3A_74], %broadcast_in_dim3A_7 : memref<1024xf32, #tpu.memory_space<vmem>>[vector<16xi32>], vector<16xf32>,
        %mul3A_75 = arith.constant 128 : i32
        %mul3A_76 = arith.muli %scan3A_39, %mul3A_75 : i32
        %add3A_77 = arith.constant 96 : i32
        %add3A_78 = arith.addi %mul3A_76, %add3A_77 : i32
        %get3A_79 = arith.index_cast %add3A_78 : i32 to index
        %get3A_80 = tpu.vector_load %arg8[%get3A_79] {strides = array<i32>} : memref<4608xi32, #tpu.memory_space<vmem>>, vector<16xi32>,
        tpu.vector_store_idx %arg9[%get3A_80], %broadcast_in_dim3A_7 : memref<1024xf32, #tpu.memory_space<vmem>>[vector<16xi32>], vector<16xf32>,
        %mul3A_81 = arith.constant 128 : i32
        %mul3A_82 = arith.muli %scan3A_39, %mul3A_81 : i32
        %add3A_83 = arith.constant 112 : i32
        %add3A_84 = arith.addi %mul3A_82, %add3A_83 : i32
        %get3A_85 = arith.index_cast %add3A_84 : i32 to index
        %get3A_86 = tpu.vector_load %arg8[%get3A_85] {strides = array<i32>} : memref<4608xi32, #tpu.memory_space<vmem>>, vector<16xi32>,
        tpu.vector_store_idx %arg9[%get3A_86], %broadcast_in_dim3A_7 : memref<1024xf32, #tpu.memory_space<vmem>>[vector<16xi32>], vector<16xf32>,
      }
      %scan3A_24 = arith.constant 36 : i32
      %scan3A_25 = arith.constant 0 : i32
      %scan3A_26 = arith.constant 8 : i32
      %scan3A_27 = arith.addi %scan3A_25, %scan3A_26 : i32
      %scan3A_28 = arith.constant 1 : i32
      %scan3A_29 = scf.for %scan3A_39 = %scan3A_25 to %scan3A_27 step %scan3A_28 iter_args(%scan3A_40 = %broadcast_in_dim3A_5) -> (vector<16xf32>)  : i32 {
        %mul3A_41 = arith.constant 128 : i32
        %mul3A_42 = arith.muli %scan3A_39, %mul3A_41 : i32
        %add3A_43 = arith.constant 0 : i32
        %add3A_44 = arith.addi %mul3A_42, %add3A_43 : i32
        %get3A = arith.index_cast %add3A_44 : i32 to index
        %get3A_45 = tpu.vector_load %arg9[%get3A] {strides = array<i32>} : memref<1024xf32, #tpu.memory_space<vmem>>, vector<16xf32>,
        %eq3A_46 = arith.constant 0.000000e+00 : f32
        %eq3A_47 = vector.broadcast %eq3A_46 : f32 to vector<16xf32>
        %eq3A_48 = arith.cmpf oeq, %get3A_45, %eq3A_47 : vector<16xf32>
        %jit3A = arith.constant 1.000000e+00 : f32
        %jit3A_49 = arith.constant 0.000000e+00 : f32
        %broadcast_in_dim3A_50 = vector.broadcast %jit3A : f32 to vector<16xf32>
        %broadcast_in_dim3A_51 = vector.broadcast %jit3A_49 : f32 to vector<16xf32>
        %select_n3A = arith.select %eq3A_48, %broadcast_in_dim3A_50, %broadcast_in_dim3A_51 : vector<16xi1>, vector<16xf32>
        %add3A_52 = arith.addf %scan3A_40, %select_n3A : vector<16xf32>
        %mul3A_53 = arith.constant 128 : i32
        %mul3A_54 = arith.muli %scan3A_39, %mul3A_53 : i32
        %add3A_55 = arith.constant 16 : i32
        %add3A_56 = arith.addi %mul3A_54, %add3A_55 : i32
        %get3A_57 = arith.index_cast %add3A_56 : i32 to index
        %get3A_58 = tpu.vector_load %arg9[%get3A_57] {strides = array<i32>} : memref<1024xf32, #tpu.memory_space<vmem>>, vector<16xf32>,
        %eq3A_59 = arith.constant 0.000000e+00 : f32
        %eq3A_60 = vector.broadcast %eq3A_59 : f32 to vector<16xf32>
        %eq3A_61 = arith.cmpf oeq, %get3A_58, %eq3A_60 : vector<16xf32>
        %jit3A_62 = arith.constant 1.000000e+00 : f32
        %jit3A_63 = arith.constant 0.000000e+00 : f32
        %broadcast_in_dim3A_64 = vector.broadcast %jit3A_62 : f32 to vector<16xf32>
        %broadcast_in_dim3A_65 = vector.broadcast %jit3A_63 : f32 to vector<16xf32>
        %select_n3A_66 = arith.select %eq3A_61, %broadcast_in_dim3A_64, %broadcast_in_dim3A_65 : vector<16xi1>, vector<16xf32>
        %add3A_67 = arith.addf %add3A_52, %select_n3A_66 : vector<16xf32>
        %mul3A_68 = arith.constant 128 : i32
        %mul3A_69 = arith.muli %scan3A_39, %mul3A_68 : i32
        %add3A_70 = arith.constant 32 : i32
        %add3A_71 = arith.addi %mul3A_69, %add3A_70 : i32
        %get3A_72 = arith.index_cast %add3A_71 : i32 to index
        %get3A_73 = tpu.vector_load %arg9[%get3A_72] {strides = array<i32>} : memref<1024xf32, #tpu.memory_space<vmem>>, vector<16xf32>,
        %eq3A_74 = arith.constant 0.000000e+00 : f32
        %eq3A_75 = vector.broadcast %eq3A_74 : f32 to vector<16xf32>
        %eq3A_76 = arith.cmpf oeq, %get3A_73, %eq3A_75 : vector<16xf32>
        %jit3A_77 = arith.constant 1.000000e+00 : f32
        %jit3A_78 = arith.constant 0.000000e+00 : f32
        %broadcast_in_dim3A_79 = vector.broadcast %jit3A_77 : f32 to vector<16xf32>
        %broadcast_in_dim3A_80 = vector.broadcast %jit3A_78 : f32 to vector<16xf32>
        %select_n3A_81 = arith.select %eq3A_76, %broadcast_in_dim3A_79, %broadcast_in_dim3A_80 : vector<16xi1>, vector<16xf32>
        %add3A_82 = arith.addf %add3A_67, %select_n3A_81 : vector<16xf32>
        %mul3A_83 = arith.constant 128 : i32
        %mul3A_84 = arith.muli %scan3A_39, %mul3A_83 : i32
        %add3A_85 = arith.constant 48 : i32
        %add3A_86 = arith.addi %mul3A_84, %add3A_85 : i32
        %get3A_87 = arith.index_cast %add3A_86 : i32 to index
        %get3A_88 = tpu.vector_load %arg9[%get3A_87] {strides = array<i32>} : memref<1024xf32, #tpu.memory_space<vmem>>, vector<16xf32>,
        %eq3A_89 = arith.constant 0.000000e+00 : f32
        %eq3A_90 = vector.broadcast %eq3A_89 : f32 to vector<16xf32>
        %eq3A_91 = arith.cmpf oeq, %get3A_88, %eq3A_90 : vector<16xf32>
        %jit3A_92 = arith.constant 1.000000e+00 : f32
        %jit3A_93 = arith.constant 0.000000e+00 : f32
        %broadcast_in_dim3A_94 = vector.broadcast %jit3A_92 : f32 to vector<16xf32>
        %broadcast_in_dim3A_95 = vector.broadcast %jit3A_93 : f32 to vector<16xf32>
        %select_n3A_96 = arith.select %eq3A_91, %broadcast_in_dim3A_94, %broadcast_in_dim3A_95 : vector<16xi1>, vector<16xf32>
        %add3A_97 = arith.addf %add3A_82, %select_n3A_96 : vector<16xf32>
        %mul3A_98 = arith.constant 128 : i32
        %mul3A_99 = arith.muli %scan3A_39, %mul3A_98 : i32
        %add3A_100 = arith.constant 64 : i32
        %add3A_101 = arith.addi %mul3A_99, %add3A_100 : i32
        %get3A_102 = arith.index_cast %add3A_101 : i32 to index
        %get3A_103 = tpu.vector_load %arg9[%get3A_102] {strides = array<i32>} : memref<1024xf32, #tpu.memory_space<vmem>>, vector<16xf32>,
        %eq3A_104 = arith.constant 0.000000e+00 : f32
        %eq3A_105 = vector.broadcast %eq3A_104 : f32 to vector<16xf32>
        %eq3A_106 = arith.cmpf oeq, %get3A_103, %eq3A_105 : vector<16xf32>
        %jit3A_107 = arith.constant 1.000000e+00 : f32
        %jit3A_108 = arith.constant 0.000000e+00 : f32
        %broadcast_in_dim3A_109 = vector.broadcast %jit3A_107 : f32 to vector<16xf32>
        %broadcast_in_dim3A_110 = vector.broadcast %jit3A_108 : f32 to vector<16xf32>
        %select_n3A_111 = arith.select %eq3A_106, %broadcast_in_dim3A_109, %broadcast_in_dim3A_110 : vector<16xi1>, vector<16xf32>
        %add3A_112 = arith.addf %add3A_97, %select_n3A_111 : vector<16xf32>
        %mul3A_113 = arith.constant 128 : i32
        %mul3A_114 = arith.muli %scan3A_39, %mul3A_113 : i32
        %add3A_115 = arith.constant 80 : i32
        %add3A_116 = arith.addi %mul3A_114, %add3A_115 : i32
        %get3A_117 = arith.index_cast %add3A_116 : i32 to index
        %get3A_118 = tpu.vector_load %arg9[%get3A_117] {strides = array<i32>} : memref<1024xf32, #tpu.memory_space<vmem>>, vector<16xf32>,
        %eq3A_119 = arith.constant 0.000000e+00 : f32
        %eq3A_120 = vector.broadcast %eq3A_119 : f32 to vector<16xf32>
        %eq3A_121 = arith.cmpf oeq, %get3A_118, %eq3A_120 : vector<16xf32>
        %jit3A_122 = arith.constant 1.000000e+00 : f32
        %jit3A_123 = arith.constant 0.000000e+00 : f32
        %broadcast_in_dim3A_124 = vector.broadcast %jit3A_122 : f32 to vector<16xf32>
        %broadcast_in_dim3A_125 = vector.broadcast %jit3A_123 : f32 to vector<16xf32>
        %select_n3A_126 = arith.select %eq3A_121, %broadcast_in_dim3A_124, %broadcast_in_dim3A_125 : vector<16xi1>, vector<16xf32>
        %add3A_127 = arith.addf %add3A_112, %select_n3A_126 : vector<16xf32>
        %mul3A_128 = arith.constant 128 : i32
        %mul3A_129 = arith.muli %scan3A_39, %mul3A_128 : i32
        %add3A_130 = arith.constant 96 : i32
        %add3A_131 = arith.addi %mul3A_129, %add3A_130 : i32
        %get3A_132 = arith.index_cast %add3A_131 : i32 to index
        %get3A_133 = tpu.vector_load %arg9[%get3A_132] {strides = array<i32>} : memref<1024xf32, #tpu.memory_space<vmem>>, vector<16xf32>,
        %eq3A_134 = arith.constant 0.000000e+00 : f32
        %eq3A_135 = vector.broadcast %eq3A_134 : f32 to vector<16xf32>
        %eq3A_136 = arith.cmpf oeq, %get3A_133, %eq3A_135 : vector<16xf32>
        %jit3A_137 = arith.constant 1.000000e+00 : f32
        %jit3A_138 = arith.constant 0.000000e+00 : f32
        %broadcast_in_dim3A_139 = vector.broadcast %jit3A_137 : f32 to vector<16xf32>
        %broadcast_in_dim3A_140 = vector.broadcast %jit3A_138 : f32 to vector<16xf32>
        %select_n3A_141 = arith.select %eq3A_136, %broadcast_in_dim3A_139, %broadcast_in_dim3A_140 : vector<16xi1>, vector<16xf32>
        %add3A_142 = arith.addf %add3A_127, %select_n3A_141 : vector<16xf32>
        %mul3A_143 = arith.constant 128 : i32
        %mul3A_144 = arith.muli %scan3A_39, %mul3A_143 : i32
        %add3A_145 = arith.constant 112 : i32
        %add3A_146 = arith.addi %mul3A_144, %add3A_145 : i32
        %get3A_147 = arith.index_cast %add3A_146 : i32 to index
        %get3A_148 = tpu.vector_load %arg9[%get3A_147] {strides = array<i32>} : memref<1024xf32, #tpu.memory_space<vmem>>, vector<16xf32>,
        %eq3A_149 = arith.constant 0.000000e+00 : f32
        %eq3A_150 = vector.broadcast %eq3A_149 : f32 to vector<16xf32>
        %eq3A_151 = arith.cmpf oeq, %get3A_148, %eq3A_150 : vector<16xf32>
        %jit3A_152 = arith.constant 1.000000e+00 : f32
        %jit3A_153 = arith.constant 0.000000e+00 : f32
        %broadcast_in_dim3A_154 = vector.broadcast %jit3A_152 : f32 to vector<16xf32>
        %broadcast_in_dim3A_155 = vector.broadcast %jit3A_153 : f32 to vector<16xf32>
        %select_n3A_156 = arith.select %eq3A_151, %broadcast_in_dim3A_154, %broadcast_in_dim3A_155 : vector<16xi1>, vector<16xf32>
        %add3A_157 = arith.addf %add3A_142, %select_n3A_156 : vector<16xf32>
        scf.yield %add3A_157 : vector<16xf32>
      }
      %scan3A_30 = arith.constant 8 : i32
      %reduce_sum3A = arith.constant true
      %reduce_sum3A_31 = vector.broadcast %reduce_sum3A : i1 to vector<16xi1>
      %reduce_sum3A_32 = tpu.scan <sum>, %scan3A_29 masked %reduce_sum3A_31 : vector<16xf32>, vector<16xi1> -> vector<16xf32>
      %reduce_sum3A_33 = vector.extract %reduce_sum3A_32[15] : f32 from vector<16xf32>
      %mul3A_34 = arith.constant 9.765625E-4 : f32
      %mul3A_35 = arith.mulf %reduce_sum3A_33, %mul3A_34 : f32
      %add3A_36 = vector.broadcast %mul3A_35 : f32 to vector<16xf32>
      %add3A_37 = arith.addf %broadcast_in_dim3A_5, %add3A_36 : vector<16xf32>
      %swap3A = arith.constant 0 : index
      %swap3A_38 = tpu.vector_load %arg10[%swap3A] {strides = array<i32>} : memref<16xf32, #tpu.memory_space<vmem>>, vector<16xf32>,
      tpu.vector_store %arg10[%swap3A], %add3A_37 {strides = array<i32>} : memref<16xf32, #tpu.memory_space<vmem>>, vector<16xf32>,
      "tpu.region"() ({
        %run_scoped3A = tpu.sem_alloc : memref<!tpu.dma_semaphore, #tpu.memory_space<semaphore_mem>>
        tpu.enqueue_dma source(%arg10 : memref<16xf32, #tpu.memory_space<vmem>>) target(%arg5 : memref<16xf32, #tpu.memory_space<hbm>>) target_semaphore(%run_scoped3A : memref<!tpu.dma_semaphore, #tpu.memory_space<semaphore_mem>>)
        tpu.wait_dma2 semaphore(%run_scoped3A : memref<!tpu.dma_semaphore, #tpu.memory_space<semaphore_mem>>) src(%arg10 : memref<16xf32, #tpu.memory_space<vmem>>) dst(%arg5 : memref<16xf32, #tpu.memory_space<hbm>>)
        tpu.yield
      }) : () -> ()
    } else {
    }
    %dma_wait3A = arith.constant 0 : i32
    %dma_wait3A_12 = arith.constant 0 : i32
    %dma_wait3A_13 = tpu.memref_slice %arg2[%dma_wait3A, %dma_wait3A_12] : memref<1024x256xf32, #tpu.memory_space<hbm>> -> memref<1024x256xf32, #tpu.memory_space<hbm>>
    tpu.wait_indirect_dma semaphore(%arg11 : memref<!tpu.dma_semaphore, #tpu.memory_space<semaphore_mem>>) src(%dma_wait3A_13 : memref<1024x256xf32, #tpu.memory_space<hbm>>) dst(%arg7 : memref<144x256xf32, #tpu.memory_space<vmem>>)
    "tpu.region"() ({
      %run_scoped3A = tpu.sem_alloc : memref<!tpu.dma_semaphore, #tpu.memory_space<semaphore_mem>>
      %dma_start3A_14 = arith.constant 0 : i32
      %dma_start3A_15 = tpu.memref_slice %arg4[%mul3A_2, %dma_start3A_14] : memref<4608x256xf32, #tpu.memory_space<hbm>> -> memref<144x256xf32, #tpu.memory_space<hbm>>
      %dma_start3A_16 = arith.constant 0 : i32
      %dma_start3A_17 = tpu.memref_slice %arg4[%mul3A_2, %dma_start3A_16] : memref<4608x256xf32, #tpu.memory_space<hbm>> -> memref<144x256xf32, #tpu.memory_space<hbm>>
      tpu.enqueue_dma source(%arg7 : memref<144x256xf32, #tpu.memory_space<vmem>>) target(%dma_start3A_17 : memref<144x256xf32, #tpu.memory_space<hbm>>) target_semaphore(%run_scoped3A : memref<!tpu.dma_semaphore, #tpu.memory_space<semaphore_mem>>)
      %dma_wait3A_18 = arith.constant 0 : i32
      %dma_wait3A_19 = tpu.memref_slice %arg4[%mul3A_2, %dma_wait3A_18] : memref<4608x256xf32, #tpu.memory_space<hbm>> -> memref<144x256xf32, #tpu.memory_space<hbm>>
      %dma_wait3A_20 = arith.constant 0 : i32
      %dma_wait3A_21 = tpu.memref_slice %arg4[%mul3A_2, %dma_wait3A_20] : memref<4608x256xf32, #tpu.memory_space<hbm>> -> memref<144x256xf32, #tpu.memory_space<hbm>>
      tpu.wait_dma2 semaphore(%run_scoped3A : memref<!tpu.dma_semaphore, #tpu.memory_space<semaphore_mem>>) src(%arg7 : memref<144x256xf32, #tpu.memory_space<vmem>>) dst(%dma_wait3A_21 : memref<144x256xf32, #tpu.memory_space<hbm>>)
      tpu.yield
    }) : () -> ()
    return
  }
}

module attributes {stable_mosaic.version = 14 : i64} {
  func.func @_dist_argmin_body(%arg0: i32, %arg1: memref<1x1x2304xf32, #tpu.memory_space<vmem>>, %arg2: memref<1x1024xf32, #tpu.memory_space<vmem>>, %arg3: memref<2304x256xf32, #tpu.memory_space<vmem>>, %arg4: memref<1024x256xf32, #tpu.memory_space<vmem>>, %arg5: memref<2304x1xi32, #tpu.memory_space<vmem>>) attributes {dimension_semantics = [#tpu.dimension_semantics<arbitrary>], iteration_bounds = array<i64: 2>, scalar_prefetch = 0 : i64, scratch_operands = 0 : i64, tpu.core_type = #tpu.core_type<tc>, window_params = [{transform_indices = @transform_0, window_bounds = array<i64: 1, 1, 2304>}, {pipeline_mode = #tpu.pipeline_mode<synchronous>, transform_indices = @transform_1, window_bounds = array<i64: 1, 1024>}, {transform_indices = @transform_2, window_bounds = array<i64: 2304, 256>}, {pipeline_mode = #tpu.pipeline_mode<synchronous>, transform_indices = @transform_3, window_bounds = array<i64: 1024, 256>}, {transform_indices = @transform_4, window_bounds = array<i64: 2304, 1>}]} {
    %get3A = arith.constant 0 : index
    %get3A_0 = arith.constant 0 : index
    %get3A_1 = vector.load %arg3[%get3A, %get3A_0] : memref<2304x256xf32, #tpu.memory_space<vmem>>, vector<2304x256xf32>
    %get3A_2 = arith.constant 0 : index
    %get3A_3 = arith.constant 0 : index
    %get3A_4 = vector.load %arg4[%get3A_2, %get3A_3] : memref<1024x256xf32, #tpu.memory_space<vmem>>, vector<1024x256xf32>
    %dot_general3A = arith.constant dense<0.000000e+00> : vector<2304x1024xf32>
    %dot_general3A_5 = tpu.matmul %get3A_1, %get3A_4, %dot_general3A {dimension_numbers = #tpu.dot_dimension_numbers<[1], [1], [0], [0], [0, 0, 1, 0], [], []>, transpose_lhs_hint = false} : vector<2304x256xf32>, vector<1024x256xf32>, vector<2304x1024xf32> -> vector<2304x1024xf32>
    %get3A_6 = arith.constant 0 : index
    %get3A_7 = arith.constant 0 : index
    %get3A_8 = arith.constant 0 : index
    %get3A_9 = vector.load %arg1[%get3A_6, %get3A_7, %get3A_8] : memref<1x1x2304xf32, #tpu.memory_space<vmem>>, vector<1x1x2304xf32>
    %reshape3A = vector.shape_cast %get3A_9 : vector<1x1x2304xf32> to vector<2304x1xf32>
    %get3A_10 = arith.constant 0 : index
    %get3A_11 = arith.constant 0 : index
    %get3A_12 = vector.load %arg2[%get3A_10, %get3A_11] : memref<1x1024xf32, #tpu.memory_space<vmem>>, vector<1x1024xf32>
    %add3A = vector.broadcast %reshape3A : vector<2304x1xf32> to vector<2304x1024xf32>
    %add3A_13 = vector.broadcast %get3A_12 : vector<1x1024xf32> to vector<2304x1024xf32>
    %add3A_14 = arith.addf %add3A, %add3A_13 : vector<2304x1024xf32>
    %mul3A = arith.constant 2.000000e+00 : f32
    %mul3A_15 = vector.broadcast %mul3A : f32 to vector<2304x1024xf32>
    %mul3A_16 = arith.mulf %mul3A_15, %dot_general3A_5 : vector<2304x1024xf32>
    %sub3A = arith.subf %add3A_14, %mul3A_16 : vector<2304x1024xf32>
    %max3A = arith.constant 0.000000e+00 : f32
    %max3A_17 = vector.broadcast %max3A : f32 to vector<2304x1024xf32>
    %max3A_18 = arith.maximumf %sub3A, %max3A_17 : vector<2304x1024xf32>
    %sqrt3A = math.sqrt %max3A_18 : vector<2304x1024xf32>
    %reduce_min3A = arith.constant dense<0x7F800000> : vector<2304xf32>
    %reduce_min3A_19 = vector.multi_reduction <minimumf>, %sqrt3A, %reduce_min3A [1] : vector<2304x1024xf32> to vector<2304xf32>
    %broadcast_in_dim3A = vector.shape_cast %reduce_min3A_19 : vector<2304xf32> to vector<2304x1xf32>
    %iota3A = tpu.iota {dimensions = array<i32: 1>} : vector<2304x1024xi32>
    %convert_element_type3A = arith.sitofp %iota3A : vector<2304x1024xi32> to vector<2304x1024xf32>
    %eq3A = vector.broadcast %broadcast_in_dim3A : vector<2304x1xf32> to vector<2304x1024xf32>
    %eq3A_20 = arith.cmpf oeq, %sqrt3A, %eq3A : vector<2304x1024xf32>
    %jit3A = arith.constant 1.024000e+03 : f32
    %broadcast_in_dim3A_21 = vector.broadcast %jit3A : f32 to vector<2304x1024xf32>
    %select_n3A = arith.select %eq3A_20, %convert_element_type3A, %broadcast_in_dim3A_21 : vector<2304x1024xi1>, vector<2304x1024xf32>
    %reduce_min3A_22 = arith.constant dense<0x7F800000> : vector<2304xf32>
    %reduce_min3A_23 = vector.multi_reduction <minimumf>, %select_n3A, %reduce_min3A_22 [1] : vector<2304x1024xf32> to vector<2304xf32>
    %broadcast_in_dim3A_24 = vector.shape_cast %reduce_min3A_23 : vector<2304xf32> to vector<2304x1xf32>
    %convert_element_type3A_25 = arith.fptosi %broadcast_in_dim3A_24 : vector<2304x1xf32> to vector<2304x1xi32>
    %swap3A = arith.constant 0 : index
    %swap3A_26 = arith.constant 0 : index
    %swap3A_27 = vector.load %arg5[%swap3A, %swap3A_26] : memref<2304x1xi32, #tpu.memory_space<vmem>>, vector<2304x1xi32>
    tpu.vector_store %arg5[%swap3A, %swap3A_26], %convert_element_type3A_25 {strides = array<i32>} : memref<2304x1xi32, #tpu.memory_space<vmem>>, vector<2304x1xi32>,
    return
  }
  func.func @transform_0(%arg0: i32) -> (i32, i32, i32) {
    %c0_i32 = arith.constant 0 : i32
    %c0_i32_0 = arith.constant 0 : i32
    %c0_i32_1 = arith.constant 0 : i32
    return %arg0, %c0_i32, %c0_i32_0 : i32, i32, i32
  }
  func.func @transform_1(%arg0: i32) -> (i32, i32) {
    %c0_i32 = arith.constant 0 : i32
    %c0_i32_0 = arith.constant 0 : i32
    %c0_i32_1 = arith.constant 0 : i32
    return %c0_i32, %c0_i32_0 : i32, i32
  }
  func.func @transform_2(%arg0: i32) -> (i32, i32) {
    %c0_i32 = arith.constant 0 : i32
    %c0_i32_0 = arith.constant 0 : i32
    return %arg0, %c0_i32 : i32, i32
  }
  func.func @transform_3(%arg0: i32) -> (i32, i32) {
    %c0_i32 = arith.constant 0 : i32
    %c0_i32_0 = arith.constant 0 : i32
    %c0_i32_1 = arith.constant 0 : i32
    return %c0_i32, %c0_i32_0 : i32, i32
  }
  func.func @transform_4(%arg0: i32) -> (i32, i32) {
    %c0_i32 = arith.constant 0 : i32
    %c0_i32_0 = arith.constant 0 : i32
    return %arg0, %c0_i32 : i32, i32
  }
}

</mosaic_0001>

<sc_bundles>
// kernel: kernel.4.cloned.1.call-start
scs
__scs_entry_jumppad:
0x0: {  	(pc) =	sbr.rel $0x88, $3  }
0x1: {  	(tag) =	ssettag $0x0;
	lr =	simm.s32 $0x1  }
0x2: {  	[smem:$0x3F9F] =	sst lr;
	_ =	strace $0xD0000000  }
0x3: {  	_ = 	snop  }
0x4: {  	_ = 	snop  }
0x5: {  	_ = 	snop  }
0x6: {  	_ = 	snop  }
0x7: {  	_ = 	snop  }
__scs_overlays_trampoline_lowered:
0x8: {  	[smem:$0x3FAE] =	sst s0  }
0x9: {  	[smem:$0x3FAF] =	sst s1  }
0xa: {  	[smem:$0x3FB0] =	sst s2  }
0xb: {  	[smem:$0x3FB1] =	sst s3  }
0xc: {  	[smem:$0x3FB2] =	sst s4  }
0xd: {  	[smem:$0x3FB3] =	sst s5  }
0xe: {  	[smem:$0x3FB4] =	sst s6  }
0xf: {  	[smem:$0x3FB5] =	sst s7  }
0x10: {  	[smem:$0x3FB6] =	sst s8  }
0x11: {  	[smem:$0x3FB7] =	sst s9;
	s0 =	simm.s32 @!p0 $0x0  }
0x12: {  	s1 =	sld [smem:$0x3F9D];
	s0 =	simm.s32 @p0 $0x1  }
0x13: {  	[smem:$0x3FB8] =	sst s0;
	s0 =	simm.s32 @!p1 $0x0  }
0x14: {  	s2 =	sld [smem:$0x3F9C];
	s0 =	simm.s32 @p1 $0x1  }
0x15: {  	[smem:$0x3FB9] =	sst s0;
	s0 =	simm.s32 @!p2 $0x0  }
0x16: {  	s3 =	sld [smem:$0x3FDB];
	s0 =	simm.s32 @p2 $0x1  }
0x17: {  	s4 =	simm.s32 $0x1BF5;
	[smem:$0x3FBB] =	sst s0  }
0x18: {  	s0 =	sld [smem:$0x3F9E];
	_ =	swait.ge [sflag:s4], $0x0  }
0x19: {  	s7 =	sld [smem:$0x3F9F]  }
0x1a: {  	s8 =	sadd.s32 $0xFFFFE003, lr  }
0x1b: {  	s9 =	sadd.s32 $0xFFFFFEF7, lr;
	s5 =	simm.s32 $0xFFFFFFFF;
	p2 =	slt.u32 s8, $0xFFFFF086  }
0x1c: {  	p1 =	slt.u32 s9, $0xF7A;
	s5 =	simm.s32 @!p2 $0x0  }
0x1d: {  	s5 =	simm.s32 @p1 $0x1;
	p0 =	seq.s32 s7, s2  }
0x1e: {  	s7 =	smul.u32 @!p0 $0xF7A, s2;
	p2 =	seq.s32 @!p0 s5, $0x0  }
0x1f: {  	s9 =	smul.u32 $0xF7A, s1;
	s8 =	simm.s32 @!p0 $0x1BF5;
	p2 =	por !p2, p0  }
0x20: {  	[sflag:s8] =	ssyncset.s32 @!p0 $0xFFFFF086;
	s6 =	sadd.s32 @!p0 s3, s7;
	s7 =	simm.s32 @!p0 $0x108  }
0x21: {  	s3 =	sadd.s32 s3, s9;
	s6 =	sadd.s32 @!p0 $0x88, s6;
	s7 =	simm.s32 @p2 $0x1082  }
0x22: {  	[simem:s7], [sflag:s8] =	dma.local @!p0 [hbm:s6], $0xF7A  }
0x23: {  	s9 =	sor.u32 $0xD0000000, s2;
	s6 =	simm.s32 $0x108;
	_ =	swait.ge @!p0 [sflag:s8], $0x0  }
0x24: {  	s3 =	sadd.s32 $0x88, s3;
	s6 =	simm.s32 @!p1 $0x1082;
	[sflag:s4] =	ssyncset.s32 $0xFFFFF086  }
0x25: {  	[simem:s6], [sflag:s4] =	dma.local [hbm:s3], $0xF7A  }
0x26: {  	[smem:$0x3F9F] =	sst s1;
	(tag) =	ssettag s2;
	_ =	strace s9  }
0x27: {  	s1 =	sld [smem:$0x3FAF]  }
0x28: {  	s2 =	sld [smem:$0x3FB0]  }
0x29: {  	s4 =	sld [smem:$0x3FB2]  }
0x2a: {  	p0 =	seq.s32 s5, $0x0;
	s5 =	sld [smem:$0x3FB3]  }
0x2b: {  	s6 =	sld [smem:$0x3FB4]  }
0x2c: {  	s7 =	sld [smem:$0x3FB5]  }
0x2d: {  	s3 =	simm.s32 $0x108;
	s8 =	sld [smem:$0x3FB6]  }
0x2e: {  	s3 =	simm.s32 @!p0 $0x1082;
	s9 =	sld [smem:$0x3FB7]  }
0x2f: {  	lr =	sadd.s32 s0, s3;
	s0 =	sld [smem:$0x3FAE]  }
0x30: {  	s3 =	sld [smem:$0x3FB1]  }
0x31: {  	[smem:$0x3FBA] =	sst s10  }
0x32: {  	s10 =	sld [smem:$0x3FB8];
	_ =	sdelay $0x3  }
0x33: {  	p0 =	seq.s32 s10, $0x1;
	s10 =	sld [smem:$0x3FBA];
	_ =	sdelay $0x3  }
0x34: {  	[smem:$0x3FBA] =	sst s10  }
0x35: {  	s10 =	sld [smem:$0x3FB9];
	_ =	sdelay $0x3  }
0x36: {  	p1 =	seq.s32 s10, $0x1;
	s10 =	sld [smem:$0x3FBA];
	_ =	sdelay $0x3  }
0x37: {  	[smem:$0x3FBA] =	sst s10  }
0x38: {  	s10 =	sld [smem:$0x3FBB]  }
0x39: {  	_ = 	snop;
	(pc) =	sbr.ind lr, $3  }
0x3a: {  	_ = 	snop  }
0x3b: {  	_ = 	snop  }
0x3c: {  	p2 =	seq.s32 s10, $0x1;
	s10 =	sld [smem:$0x3FBA]  }
0x3d: {  	_ =	shalt  }
0x3e: {  	_ =	shalt  }
0x3f: {  	_ =	shalt  }
0x40: {  	_ =	shalt  }
0x41: {  	_ =	shalt  }
0x42: {  	_ =	shalt  }
0x43: {  	_ =	shalt  }
0x44: {  	_ =	shalt  }
0x45: {  	_ =	shalt  }
0x46: {  	_ =	shalt  }
0x47: {  	_ =	shalt  }
0x48: {  	_ =	shalt  }
0x49: {  	_ =	shalt  }
0x4a: {  	_ =	shalt  }
0x4b: {  	_ =	shalt  }
0x4c: {  	_ =	shalt  }
0x4d: {  	_ =	shalt  }
0x4e: {  	_ =	shalt  }
0x4f: {  	_ =	shalt  }
0x50: {  	_ =	shalt  }
0x51: {  	_ =	shalt  }
0x52: {  	_ =	shalt  }
0x53: {  	_ =	shalt  }
0x54: {  	_ =	shalt  }
0x55: {  	_ =	shalt  }
0x56: {  	_ =	shalt  }
0x57: {  	_ =	shalt  }
0x58: {  	_ =	shalt  }
0x59: {  	_ =	shalt  }
0x5a: {  	_ =	shalt  }
0x5b: {  	_ =	shalt  }
0x5c: {  	_ =	shalt  }
0x5d: {  	_ =	shalt  }
0x5e: {  	_ =	shalt  }
0x5f: {  	_ =	shalt  }
0x60: {  	_ =	shalt  }
0x61: {  	_ =	shalt  }
0x62: {  	_ =	shalt  }
0x63: {  	_ =	shalt  }
0x64: {  	_ =	shalt  }
0x65: {  	_ =	shalt  }
0x66: {  	_ =	shalt  }
0x67: {  	_ =	shalt  }
0x68: {  	_ =	shalt  }
0x69: {  	_ =	shalt  }
0x6a: {  	_ =	shalt  }
0x6b: {  	_ =	shalt  }
0x6c: {  	_ =	shalt  }
0x6d: {  	_ =	shalt  }
0x6e: {  	_ =	shalt  }
0x6f: {  	_ =	shalt  }
0x70: {  	_ =	shalt  }
0x71: {  	_ =	shalt  }
0x72: {  	_ =	shalt  }
0x73: {  	_ =	shalt  }
0x74: {  	_ =	shalt  }
0x75: {  	_ =	shalt  }
0x76: {  	_ =	shalt  }
0x77: {  	_ =	shalt  }
0x78: {  	_ =	shalt  }
0x79: {  	_ =	shalt  }
0x7a: {  	_ =	shalt  }
0x7b: {  	_ =	shalt  }
0x7c: {  	_ =	shalt  }
0x7d: {  	_ =	shalt  }
0x7e: {  	_ =	shalt  }
0x7f: {  	_ =	shalt  }
0x80: {  	_ =	shalt  }
0x81: {  	_ =	shalt  }
0x82: {  	_ =	shalt  }
0x83: {  	_ =	shalt  }
0x84: {  	_ =	shalt  }
0x85: {  	_ =	shalt  }
0x86: {  	_ =	shalt  }
0x87: {  	_ =	shalt  }
.Lfunc_end0:
.L_simem_size_0:
called_computation_lowered:
.L_overlay_start_0:
0x88: {  	s2 =	sld [smem:$0x3FD9]  }
0x89: {  	s3 =	sld [smem:$0x3FFE];
	_ =	sdelay $0x1  }
0x8a: {  	s1 =	srdreg.scid  }
0x8b: {  	s0 =	sand.u32 $0x1, s1  }
0x8c: {  	s14 =	sshll.u32 s0, $0xA;
	s2 =	sadd.s32 s3, s2  }
0x8d: {  	s2 =	sadd.s32 s2, s14  }
0x8e: {  	[smem:$0x3FC6] =	sst s2  }
0x8f: {  	_ = 	snop  }
0x90: {  	s2 =	sld [smem:$0x3FD0];
	_ =	sdelay $0x2  }
0x91: {  	s4 =	simm.s32 $0xA;
	s5 =	simm.s32 $0x10;
	s15 =	sld [smem:$0x3FC8]  }
0x92: {  	[smem:s5], [sflag:s4] =	dma.local [hbm:s2], $0x1  }
0x93: {  	_ =	swait.eq [sflag:s4], $0x1  }
0x94: {  	[sflag:s4] =	ssyncset.done $0x0  }
0x95: {  	s16 =	sld [smem:$0x10];
	[sflag:s4] =	ssyncadd.s32 $0xFFFFFFFF  }
0x96: {  	s17 =	sld [smem:$0x12];
	(tm) =	ssettm $0x1  }
0x97: {  	s18 =	sld [smem:$0x3FFB];
	_ =	sdelay $0x3  }
0x98: {  	_ =	strace s18  }
0x99: {  	s5 =	sld [smem:$0x3FFC];
	_ =	sdelay $0x3  }
0x9a: {  	_ =	strace s5  }
0x9b: {  	s5 =	sld [smem:$0x3FFD];
	_ =	sdelay $0x3  }
0x9c: {  	_ =	strace s5  }
0x9d: {  	_ =	strace $0x8FFFFFFF  }
0x9e: {  	s19 =	sld [smem:$0x3FDB];
	_ =	sdelay $0x1  }
0x9f: {  	s6 =	simm.s32 $_scs_section_size  }
0xa0: {  	s7 =	simm.s32 $_size__tile_overlayer_lowered;
	s8 =	simm.s32 $_tile_overlayer_lowered  }
0xa1: {  	s22 =	simm.s32 $0x1BFF;
	s21 =	sshll.u32 s8, $0x1;
	s5 =	sadd.s32 s6, s19  }
0xa2: {  	s9 =	simm.s32 $0x0;
	s20 =	sshll.u32 s7, $0x1;
	s7 =	sadd.s32 s21, s5  }
0xa3: {  	[timem:s9], [sflag:s22] =	dma.local [hbm:s7], s20  }
0xa4: {  	_ =	swait.ge [sflag:s22], s20  }
0xa5: {  	s6 =	ssub.s32 $0x0, s20;
	[sflag:s22] =	ssyncset.done $0x0  }
0xa6: {  	[sflag:s22] =	ssyncadd.s32 s6;
	_ =	sdelay $0x1  }
0xa7: {  	s23 =	simm.s32 $0x1B8B  }
0xa8: {  	_ =	swait.ge [sflag:s23], $0x1  }
0xa9: {  	[sflag:s23] =	ssyncset.done $0x0  }
0xaa: {  	s25 =	simm.s32 $0x1B8E;
	s24 =	sld [smem:$0x3FFE];
	[sflag:s23] =	ssyncadd.s32 $0xFFFFFFFF  }
0xab: {  	s26 =	simm.s32 $execute0_lowered;
	[smem:$0x3FD2] =	sst s25  }
0xac: {  	s7 =	sshll.u32 s26, $0x1;
	_ =	strace $0x80000046;
	[dreg:$0x1] =	wrdreg $0xFFFFFFFF  }
0xad: {  	s28 =	simm.s32 $_size_execute0_lowered;
	s5 =	sadd.s32 s5, s7;
	[dreg:$0x0] =	wrdreg $0x0  }
0xae: {  	s7 =	sshll.u32 s28, $0x1;
	[dreg:$0x2] =	wrdreg s5  }
0xaf: {  	[dreg:$0x3] =	wrdreg s7  }
0xb0: {  	[dreg:$0x4] =	wrdreg $0xC0  }
0xb1: {  	_ =	task [dreg:s9], $0x5FFFF  }
0xb2: {  	[dreg:$0x1] =	wrdreg $0xFFFFFFFF  }
0xb3: {  	[dreg:$0x0] =	wrdreg $0x60  }
0xb4: {  	[dreg:$0x2] =	wrdreg s15  }
0xb5: {  	[dreg:$0x3] =	wrdreg s24  }
0xb6: {  	[dreg:$0x4] =	wrdreg s16  }
0xb7: {  	[dreg:$0x5] =	wrdreg s17  }
0xb8: {  	[dreg:$0x6] =	wrdreg $0x9  }
0xb9: {  	_ =	task.clear_ibuf [dreg:s9], $0x7FFFF;
	_ =	strace $0x90000046  }
0xba: {  	s29 =	simm.s32 $0x9;
	_ =	strace $0x80000048  }
0xbb: {  	_ =	swait.ge [sflag:s29], $0x1  }
0xbc: {  	[sflag:s29] =	ssyncadd.s32 $0xFFFFFFFF  }
0xbd: {  	_ =	strace $0x90000048  }
0xbe: {  	_ =	sfence  }
0xbf: {  	s30 =	sld [smem:$0x0];
	_ =	sdelay $0x2  }
0xc0: {  	s31 =	sshll.u32 s1, $0xD;
	s1 =	sshrl.u32 s1, $0x2  }
0xc1: {  	s3 =	sand.u32 $0x4000, s31;
	s1 =	sadd.s32 s1, s30  }
0xc2: {  	s0 =	sor.u32 s3, s0;
	s1 =	sshll.u32 s1, $0x11  }
0xc3: {  	s0 =	sor.u32 s1, s0  }
0xc4: {  	s0 =	sadd.s32 $0x8F2B, s0  }
0xc5: {  	[sflag:s0] =	ssyncadd.remote.s32 $0x1  }
0xc6: {  	_ =	sfence.sel $0xFFFF  }
0xc7: {  	[dreg:$0x0] =	wrdreg $0xFFFFFFFF;
	(pc) =	sbr.abs _section_cstart, $3  }
0xc8: {  	[dreg:$0x1] =	wrdreg $0xFFFFFFFF  }
0xc9: {  	_ =	task.clear_ibuf [dreg:s9], $0x2FFFF;
	_ =	strace $0x9FFFFFFF  }
0xca: {  	(tm) =	ssettm $0x7FFFFFFF  }
0xcb: {  	_ =	shalt  }
tec
execute0_lowered:
.L_overlay_start_1:
0x0: {  	(tag) =	ssettag $0x1  }
0x1: {  	s1 =	rddreg [dreg:$0x0]  }
0x2: {  	s9 =	rddreg [dreg:$0x1]  }
0x3: {  	s0 =	rddreg [dreg:$0x2];
	s2 =	srdreg.scid  }
0x4: {  	s8 =	stileid.u32;
	s5 =	simm.s32 $0x0;
	s10 =	simm.s32 $0x100  }
0x5: {  	s11 =	simm.s32 $0x900;
	s12 =	simm.s32 $0x1100;
	s13 =	simm.s32 $0x1900  }
0x6: {  	s14 =	simm.s32 $0x2100;
	s15 =	simm.s32 $0x2900;
	s16 =	simm.s32 $0x3100  }
0x7: {  	s17 =	simm.s32 $0x3900;
	s18 =	simm.s32 $0x4100;
	s19 =	simm.s32 $0x4900  }
0x8: {  	s20 =	simm.s32 $0x5100;
	s21 =	simm.s32 $0x5900;
	s22 =	simm.s32 $0x6100  }
0x9: {  	s23 =	simm.s32 $0x6900;
	s24 =	simm.s32 $0x7100;
	s25 =	simm.s32 $0x7900  }
0xa: {  	s26 =	simm.s32 $0x8100;
	s2 =	sand.u32 $0x1, s2;
	s3 =	sshll.u32 s8, $0x1  }
0xb: {  	s28 =	simm.s32 $0x8900;
	s29 =	simm.s32 $0x9100;
	s3 =	sor.u32 s2, s3  }
0xc: {  	s30 =	simm.s32 $0xA300;
	s31 =	simm.s32 $0xA700;
	s6 =	smul.u32 $0x12, s3  }
.Ltmp0:
0xd: {  	[smem:$0x7FF] =	sst s5;
	s4 =	ssub.s32 $0x2, s2;
	(pc) =	sbr.rel .LBB2_1-.Ltmp0, $4  }
0xe: {  	s2 =	sor.u32 s8, s2;
	s7 =	sshrl.u32 s4, $0x1;
	s3 =	smul.u32 $0x1200, s3  }
0xf: {  	v2 =	vlaneseq.u32;
	vm0 =	vmmov $0xffff;
	_ =	strace $0x80000047;
	p0 =	sne.s32 s2, $0x0;
	s4 =	ssub.s32 s4, s7  }
0x10: {  	v3 =	vimm.f32 $0.0e+00;
	v4 =	vimm.f32 $1.000000000e+00;
	v1 =	vshrl.u32 v2, $0x3;
	s6 =	sadd.s32 s9, s6;
	s7 =	sadd.s32 s0, s3;
	s8 =	smax.u32 s4, $0x1  }
0x11: {  	v0 =	vand.u32 $0x7, v2;
	v2 =	vor.u32 $0x8, v2;
	v1 =	vmul.u32 $0x8, v1;
	s9 =	simm.s32 $0x2;
	s3 =	simm.s32 $0x1;
	s0 =	simm.s32 $0x0  }
.LBB2_7:
0x12: {  	_ =	swait.ge [sflag:s3], $0x9000;
	s0 =	sadd.s32 $0x1, s0  }
0x13: {  	[sflag:s3] =	ssyncset.done $0x0;
	p1 =	sne.s32 s0, s8  }
.Ltmp1:
0x14: {  	[sflag:s3] =	ssyncadd.s32 $0xFFFF7000;
	(pc) =	sbr.rel @!p1 .LBB2_8-.Ltmp1, $4  }
0x15: {  	[hbm4b:s7+s5] =	stream.linear.scatter [tilespmem:s10], [sflag:$0x2], $0x9000, $0x38;
	[tilespmem:$0xA780] =	vst v63  }
0x16: {  	_ =	swait.ge [sflag:s9], $0x9000  }
0x17: {  	[sflag:s9] =	ssyncset.done $0x0  }
0x18: {  	[sflag:s9] =	ssyncadd.s32 $0xFFFF7000  }
.LBB2_1:
0x19: {  	[tilespmem:s5], [sflag:$0x2] =	stream.linear.gather [hbm4b:s6+s5], $0x90, $0x38;
	[tilespmem:$0xA780] =	vst v63  }
0x1a: {  	_ =	swait.ge [sflag:s9], $0x90  }
0x1b: {  	[sflag:s9] =	ssyncset.done $0x0  }
0x1c: {  	[sflag:s9] =	ssyncadd.s32 $0xFFFFFF70  }
0x1d: {  	v5 =	vld [tilespmem:$0x0];
	_ =	sdelay $0x4  }
0x1e: {  	v6 =	vshll.u32 v5, $0x1  }
0x1f: {  	v5 =	vand.u32 $0x7, v5;
	v6 =	vand.u32 $0xFFFFFFF0, v6  }
0x20: {  	v5 =	vor.u32 v5, v6  }
0x21: {  	v6 =	vperm.xlane v5, v0;
	_ =	sdelay $0x1  }
0x22: {  	v5 =	vperm.xlane v5, v2;
	v6 =	vadd.s32 v1, v6;
	_ =	sdelay $0x1  }
0x23: {  	v5 =	vadd.s32 v1, v5;
	_ =	sdelay $0x2  }
0x24: {  	[tilespmem:s10], [sflag:$0x1] =	stream.indirect_vreg.gather [hbm4b:s1+s5], $0x80, v6, vm0, $0xb8;
	[tilespmem:$0xA780] =	vst v63  }
0x25: {  	_ = 	snop  }
0x26: {  	[tilespmem:s11], [sflag:$0x1] =	stream.indirect_vreg.gather [hbm4b:s1+s5], $0x80, v5, vm0, $0xb8;
	[tilespmem:$0xA780] =	vst v63  }
0x27: {  	v5 =	vld [tilespmem:$0x10];
	_ =	sdelay $0x4  }
0x28: {  	v6 =	vshll.u32 v5, $0x1  }
0x29: {  	v5 =	vand.u32 $0x7, v5;
	v6 =	vand.u32 $0xFFFFFFF0, v6  }
0x2a: {  	v5 =	vor.u32 v5, v6  }
0x2b: {  	v6 =	vperm.xlane v5, v0;
	_ =	sdelay $0x1  }
0x2c: {  	v5 =	vperm.xlane v5, v2;
	v6 =	vadd.s32 v1, v6;
	_ =	sdelay $0x1  }
0x2d: {  	v5 =	vadd.s32 v1, v5;
	_ =	sdelay $0x2  }
0x2e: {  	[tilespmem:s12], [sflag:$0x1] =	stream.indirect_vreg.gather [hbm4b:s1+s5], $0x80, v6, vm0, $0xb8;
	[tilespmem:$0xA780] =	vst v63  }
0x2f: {  	_ = 	snop  }
0x30: {  	[tilespmem:s13], [sflag:$0x1] =	stream.indirect_vreg.gather [hbm4b:s1+s5], $0x80, v5, vm0, $0xb8;
	[tilespmem:$0xA780] =	vst v63  }
0x31: {  	v5 =	vld [tilespmem:$0x20];
	_ =	sdelay $0x4  }
0x32: {  	v6 =	vshll.u32 v5, $0x1  }
0x33: {  	v5 =	vand.u32 $0x7, v5;
	v6 =	vand.u32 $0xFFFFFFF0, v6  }
0x34: {  	v5 =	vor.u32 v5, v6  }
0x35: {  	v6 =	vperm.xlane v5, v0;
	_ =	sdelay $0x1  }
0x36: {  	v5 =	vperm.xlane v5, v2;
	v6 =	vadd.s32 v1, v6;
	_ =	sdelay $0x1  }
0x37: {  	v5 =	vadd.s32 v1, v5;
	_ =	sdelay $0x2  }
0x38: {  	[tilespmem:s14], [sflag:$0x1] =	stream.indirect_vreg.gather [hbm4b:s1+s5], $0x80, v6, vm0, $0xb8;
	[tilespmem:$0xA780] =	vst v63  }
0x39: {  	_ = 	snop  }
0x3a: {  	[tilespmem:s15], [sflag:$0x1] =	stream.indirect_vreg.gather [hbm4b:s1+s5], $0x80, v5, vm0, $0xb8;
	[tilespmem:$0xA780] =	vst v63  }
0x3b: {  	v5 =	vld [tilespmem:$0x30];
	_ =	sdelay $0x4  }
0x3c: {  	v6 =	vshll.u32 v5, $0x1  }
0x3d: {  	v5 =	vand.u32 $0x7, v5;
	v6 =	vand.u32 $0xFFFFFFF0, v6  }
0x3e: {  	v5 =	vor.u32 v5, v6  }
0x3f: {  	v6 =	vperm.xlane v5, v0;
	_ =	sdelay $0x1  }
0x40: {  	v5 =	vperm.xlane v5, v2;
	v6 =	vadd.s32 v1, v6;
	_ =	sdelay $0x1  }
0x41: {  	v5 =	vadd.s32 v1, v5;
	_ =	sdelay $0x2  }
0x42: {  	[tilespmem:s16], [sflag:$0x1] =	stream.indirect_vreg.gather [hbm4b:s1+s5], $0x80, v6, vm0, $0xb8;
	[tilespmem:$0xA780] =	vst v63  }
0x43: {  	_ = 	snop  }
0x44: {  	[tilespmem:s17], [sflag:$0x1] =	stream.indirect_vreg.gather [hbm4b:s1+s5], $0x80, v5, vm0, $0xb8;
	[tilespmem:$0xA780] =	vst v63  }
0x45: {  	v5 =	vld [tilespmem:$0x40];
	_ =	sdelay $0x4  }
0x46: {  	v6 =	vshll.u32 v5, $0x1  }
0x47: {  	v5 =	vand.u32 $0x7, v5;
	v6 =	vand.u32 $0xFFFFFFF0, v6  }
0x48: {  	v5 =	vor.u32 v5, v6  }
0x49: {  	v6 =	vperm.xlane v5, v0;
	_ =	sdelay $0x1  }
0x4a: {  	v5 =	vperm.xlane v5, v2;
	v6 =	vadd.s32 v1, v6;
	_ =	sdelay $0x1  }
0x4b: {  	v5 =	vadd.s32 v1, v5;
	_ =	sdelay $0x2  }
0x4c: {  	[tilespmem:s18], [sflag:$0x1] =	stream.indirect_vreg.gather [hbm4b:s1+s5], $0x80, v6, vm0, $0xb8;
	[tilespmem:$0xA780] =	vst v63  }
0x4d: {  	_ = 	snop  }
0x4e: {  	[tilespmem:s19], [sflag:$0x1] =	stream.indirect_vreg.gather [hbm4b:s1+s5], $0x80, v5, vm0, $0xb8;
	[tilespmem:$0xA780] =	vst v63  }
0x4f: {  	v5 =	vld [tilespmem:$0x50];
	_ =	sdelay $0x4  }
0x50: {  	v6 =	vshll.u32 v5, $0x1  }
0x51: {  	v5 =	vand.u32 $0x7, v5;
	v6 =	vand.u32 $0xFFFFFFF0, v6  }
0x52: {  	v5 =	vor.u32 v5, v6  }
0x53: {  	v6 =	vperm.xlane v5, v0;
	_ =	sdelay $0x1  }
0x54: {  	v5 =	vperm.xlane v5, v2;
	v6 =	vadd.s32 v1, v6;
	_ =	sdelay $0x1  }
0x55: {  	v5 =	vadd.s32 v1, v5;
	_ =	sdelay $0x2  }
0x56: {  	[tilespmem:s20], [sflag:$0x1] =	stream.indirect_vreg.gather [hbm4b:s1+s5], $0x80, v6, vm0, $0xb8;
	[tilespmem:$0xA780] =	vst v63  }
0x57: {  	_ = 	snop  }
0x58: {  	[tilespmem:s21], [sflag:$0x1] =	stream.indirect_vreg.gather [hbm4b:s1+s5], $0x80, v5, vm0, $0xb8;
	[tilespmem:$0xA780] =	vst v63  }
0x59: {  	v5 =	vld [tilespmem:$0x60];
	_ =	sdelay $0x4  }
0x5a: {  	v6 =	vshll.u32 v5, $0x1  }
0x5b: {  	v5 =	vand.u32 $0x7, v5;
	v6 =	vand.u32 $0xFFFFFFF0, v6  }
0x5c: {  	v5 =	vor.u32 v5, v6  }
0x5d: {  	v6 =	vperm.xlane v5, v0;
	_ =	sdelay $0x1  }
0x5e: {  	v5 =	vperm.xlane v5, v2;
	v6 =	vadd.s32 v1, v6;
	_ =	sdelay $0x1  }
0x5f: {  	v5 =	vadd.s32 v1, v5;
	_ =	sdelay $0x2  }
0x60: {  	[tilespmem:s22], [sflag:$0x1] =	stream.indirect_vreg.gather [hbm4b:s1+s5], $0x80, v6, vm0, $0xb8;
	[tilespmem:$0xA780] =	vst v63  }
0x61: {  	_ = 	snop  }
0x62: {  	[tilespmem:s23], [sflag:$0x1] =	stream.indirect_vreg.gather [hbm4b:s1+s5], $0x80, v5, vm0, $0xb8;
	[tilespmem:$0xA780] =	vst v63  }
0x63: {  	v5 =	vld [tilespmem:$0x70];
	_ =	sdelay $0x4  }
0x64: {  	v6 =	vshll.u32 v5, $0x1  }
0x65: {  	v5 =	vand.u32 $0x7, v5;
	v6 =	vand.u32 $0xFFFFFFF0, v6  }
0x66: {  	v5 =	vor.u32 v5, v6  }
0x67: {  	v6 =	vperm.xlane v5, v0;
	_ =	sdelay $0x1  }
0x68: {  	v5 =	vperm.xlane v5, v2;
	v6 =	vadd.s32 v1, v6;
	_ =	sdelay $0x1  }
0x69: {  	v5 =	vadd.s32 v1, v5;
	_ =	sdelay $0x2  }
0x6a: {  	[tilespmem:s24], [sflag:$0x1] =	stream.indirect_vreg.gather [hbm4b:s1+s5], $0x80, v6, vm0, $0xb8;
	[tilespmem:$0xA780] =	vst v63  }
0x6b: {  	_ = 	snop  }
0x6c: {  	[tilespmem:s25], [sflag:$0x1] =	stream.indirect_vreg.gather [hbm4b:s1+s5], $0x80, v5, vm0, $0xb8;
	[tilespmem:$0xA780] =	vst v63  }
0x6d: {  	v5 =	vld [tilespmem:$0x80];
	_ =	sdelay $0x4  }
0x6e: {  	v6 =	vshll.u32 v5, $0x1  }
0x6f: {  	v5 =	vand.u32 $0x7, v5;
	v6 =	vand.u32 $0xFFFFFFF0, v6  }
0x70: {  	v5 =	vor.u32 v5, v6  }
0x71: {  	v6 =	vperm.xlane v5, v0;
	_ =	sdelay $0x1  }
0x72: {  	v5 =	vperm.xlane v5, v2;
	v6 =	vadd.s32 v1, v6;
	_ =	sdelay $0x1  }
0x73: {  	v5 =	vadd.s32 v1, v5  }
.Ltmp2:
0x74: {  	_ = 	snop;
	(pc) =	sbr.rel @p0 .LBB2_7-.Ltmp2, $4  }
0x75: {  	_ = 	snop  }
0x76: {  	[tilespmem:s26], [sflag:$0x1] =	stream.indirect_vreg.gather [hbm4b:s1+s5], $0x80, v6, vm0, $0xb8;
	[tilespmem:$0xA780] =	vst v63  }
0x77: {  	_ = 	snop  }
0x78: {  	[tilespmem:s28], [sflag:$0x1] =	stream.indirect_vreg.gather [hbm4b:s1+s5], $0x80, v5, vm0, $0xb8;
	[tilespmem:$0xA780] =	vst v63  }
0x79: {  	s4 =	simm.s32 $0x0;
	s2 =	rddreg [dreg:$0x1]  }
0x7a: {  	[tilespmem:s29], [sflag:$0x2] =	stream.linear.gather [hbm4b:s2+s4], $0x1200, $0x38;
	[tilespmem:$0xA780] =	vst v63  }
0x7b: {  	_ =	swait.ge [sflag:s9], $0x1200  }
0x7c: {  	[sflag:s9] =	ssyncset.done $0x0  }
0x7d: {  	[sflag:s9] =	ssyncadd.s32 $0xFFFFEE00  }
0x7e: {  	[tilespmem:$0xA300] =	vst v3  }
0x7f: {  	[tilespmem:$0xA310] =	vst v3  }
0x80: {  	[tilespmem:$0xA320] =	vst v3  }
0x81: {  	[tilespmem:$0xA330] =	vst v3  }
0x82: {  	[tilespmem:$0xA340] =	vst v3  }
0x83: {  	[tilespmem:$0xA350] =	vst v3  }
0x84: {  	[tilespmem:$0xA360] =	vst v3  }
0x85: {  	[tilespmem:$0xA370] =	vst v3  }
0x86: {  	[tilespmem:$0xA380] =	vst v3  }
0x87: {  	[tilespmem:$0xA390] =	vst v3  }
0x88: {  	[tilespmem:$0xA3A0] =	vst v3  }
0x89: {  	[tilespmem:$0xA3B0] =	vst v3  }
0x8a: {  	[tilespmem:$0xA3C0] =	vst v3  }
0x8b: {  	[tilespmem:$0xA3D0] =	vst v3  }
0x8c: {  	[tilespmem:$0xA3E0] =	vst v3  }
0x8d: {  	[tilespmem:$0xA3F0] =	vst v3  }
0x8e: {  	[tilespmem:$0xA400] =	vst v3  }
0x8f: {  	[tilespmem:$0xA410] =	vst v3  }
0x90: {  	[tilespmem:$0xA420] =	vst v3  }
0x91: {  	[tilespmem:$0xA430] =	vst v3  }
0x92: {  	[tilespmem:$0xA440] =	vst v3  }
0x93: {  	[tilespmem:$0xA450] =	vst v3  }
0x94: {  	[tilespmem:$0xA460] =	vst v3  }
0x95: {  	[tilespmem:$0xA470] =	vst v3  }
0x96: {  	[tilespmem:$0xA480] =	vst v3  }
0x97: {  	[tilespmem:$0xA490] =	vst v3  }
0x98: {  	[tilespmem:$0xA4A0] =	vst v3  }
0x99: {  	[tilespmem:$0xA4B0] =	vst v3  }
0x9a: {  	[tilespmem:$0xA4C0] =	vst v3  }
0x9b: {  	[tilespmem:$0xA4D0] =	vst v3  }
0x9c: {  	[tilespmem:$0xA4E0] =	vst v3  }
0x9d: {  	[tilespmem:$0xA4F0] =	vst v3  }
0x9e: {  	[tilespmem:$0xA500] =	vst v3  }
0x9f: {  	[tilespmem:$0xA510] =	vst v3  }
0xa0: {  	[tilespmem:$0xA520] =	vst v3  }
0xa1: {  	[tilespmem:$0xA530] =	vst v3  }
0xa2: {  	[tilespmem:$0xA540] =	vst v3  }
0xa3: {  	[tilespmem:$0xA550] =	vst v3  }
0xa4: {  	[tilespmem:$0xA560] =	vst v3  }
0xa5: {  	[tilespmem:$0xA570] =	vst v3  }
0xa6: {  	[tilespmem:$0xA580] =	vst v3  }
0xa7: {  	[tilespmem:$0xA590] =	vst v3  }
0xa8: {  	[tilespmem:$0xA5A0] =	vst v3  }
0xa9: {  	[tilespmem:$0xA5B0] =	vst v3  }
0xaa: {  	[tilespmem:$0xA5C0] =	vst v3  }
0xab: {  	[tilespmem:$0xA5D0] =	vst v3  }
0xac: {  	[tilespmem:$0xA5E0] =	vst v3  }
0xad: {  	[tilespmem:$0xA5F0] =	vst v3  }
0xae: {  	[tilespmem:$0xA600] =	vst v3  }
0xaf: {  	[tilespmem:$0xA610] =	vst v3  }
0xb0: {  	[tilespmem:$0xA620] =	vst v3  }
0xb1: {  	[tilespmem:$0xA630] =	vst v3  }
0xb2: {  	[tilespmem:$0xA640] =	vst v3  }
0xb3: {  	[tilespmem:$0xA650] =	vst v3  }
0xb4: {  	[tilespmem:$0xA660] =	vst v3  }
0xb5: {  	[tilespmem:$0xA670] =	vst v3  }
0xb6: {  	[tilespmem:$0xA680] =	vst v3  }
0xb7: {  	[tilespmem:$0xA690] =	vst v3  }
0xb8: {  	[tilespmem:$0xA6A0] =	vst v3  }
0xb9: {  	[tilespmem:$0xA6B0] =	vst v3  }
0xba: {  	[tilespmem:$0xA6C0] =	vst v3  }
0xbb: {  	[tilespmem:$0xA6D0] =	vst v3  }
0xbc: {  	[tilespmem:$0xA6E0] =	vst v3  }
0xbd: {  	[tilespmem:$0xA6F0] =	vst v3  }
.LBB2_3:
0xbe: {  	s2 =	sshra.s32 s4, $0x2  }
0xbf: {  	v5 =	vld [tilespmem:s2+$0x9100];
	_ =	sdelay $0x7  }
0xc0: {  	[tilespmem:v5+s30+$0x0] =	vst.idx.msk $0xffff, v4  }
0xc1: {  	v5 =	vld [tilespmem:s2+$0x9110];
	_ =	sdelay $0x7  }
0xc2: {  	[tilespmem:v5+s30+$0x0] =	vst.idx.msk $0xffff, v4  }
0xc3: {  	v5 =	vld [tilespmem:s2+$0x9120];
	_ =	sdelay $0x7  }
0xc4: {  	[tilespmem:v5+s30+$0x0] =	vst.idx.msk $0xffff, v4  }
0xc5: {  	v5 =	vld [tilespmem:s2+$0x9130];
	_ =	sdelay $0x7  }
0xc6: {  	[tilespmem:v5+s30+$0x0] =	vst.idx.msk $0xffff, v4  }
0xc7: {  	v5 =	vld [tilespmem:s2+$0x9140];
	_ =	sdelay $0x7  }
0xc8: {  	[tilespmem:v5+s30+$0x0] =	vst.idx.msk $0xffff, v4  }
0xc9: {  	v5 =	vld [tilespmem:s2+$0x9150];
	_ =	sdelay $0x7  }
0xca: {  	[tilespmem:v5+s30+$0x0] =	vst.idx.msk $0xffff, v4  }
0xcb: {  	v5 =	vld [tilespmem:s2+$0x9160];
	_ =	sdelay $0x7  }
0xcc: {  	[tilespmem:v5+s30+$0x0] =	vst.idx.msk $0xffff, v4  }
0xcd: {  	v5 =	vld [tilespmem:s2+$0x9170];
	_ =	sdelay $0x2  }
0xce: {  	p1 =	sne.s32 s4, $0x4600  }
.Ltmp3:
0xcf: {  	_ = 	snop;
	(pc) =	sbr.rel @p1 .LBB2_3-.Ltmp3, $2  }
0xd0: {  	_ =	sdelay $0x2  }
0xd1: {  	s4 =	sadd.s32 $0x200, s4;
	[tilespmem:v5+s30+$0x0] =	vst.idx.msk $0xffff, v4  }
0xd2: {  	s2 =	simm.s32 $0x0  }
0xd3: {  	v5 =	vld [tilespmem:s2+$0xA300];
	_ =	sdelay $0x1  }
0xd4: {  	v6 =	vld [tilespmem:s2+$0xA310];
	_ =	sdelay $0x1  }
0xd5: {  	v7 =	vld [tilespmem:s2+$0xA320]  }
0xd6: {  	vm1 =	veq.f32 v5, $0.0e+00  }
0xd7: {  	v9 =	vld [tilespmem:s2+$0xA330];
	v5 =	vimm.f32 $0.0e+00;
	v8 =	vsel vm1, $0x3F800000, v3  }
0xd8: {  	vm1 =	veq.f32 v6, $0.0e+00;
	v5 =	vadd.f32 v8, v5  }
0xd9: {  	v6 =	vsel vm1, $0x3F800000, v3  }
0xda: {  	v8 =	vld [tilespmem:s2+$0xA340];
	vm1 =	veq.f32 v7, $0.0e+00;
	v5 =	vadd.f32 v6, v5  }
0xdb: {  	v6 =	vsel vm1, $0x3F800000, v3  }
0xdc: {  	v10 =	vld [tilespmem:s2+$0xA350];
	vm1 =	veq.f32 v9, $0.0e+00;
	v5 =	vadd.f32 v6, v5  }
0xdd: {  	v6 =	vsel vm1, $0x3F800000, v3  }
0xde: {  	v7 =	vadd.f32 v6, v5;
	v6 =	vld [tilespmem:s2+$0xA360]  }
0xdf: {  	vm1 =	veq.f32 v8, $0.0e+00  }
0xe0: {  	v8 =	vsel vm1, $0x3F800000, v3;
	v5 =	vld [tilespmem:s2+$0xA370]  }
0xe1: {  	s4 =	simm.s32 $0x80;
	s2 =	simm.s32 $0x400;
	vm1 =	veq.f32 v10, $0.0e+00;
	v7 =	vadd.f32 v8, v7  }
.LBB2_5:
0xe2: {  	p1 =	sne.s32 s2, $0xE00;
	v8 =	vld [tilespmem:s4+$0xA300];
	v9 =	vsel vm1, $0x3F800000, v3  }
0xe3: {  	v7 =	vadd.f32 v9, v7;
	vm1 =	veq.f32 v6, $0.0e+00  }
0xe4: {  	v6 =	vld [tilespmem:s4+$0xA310];
	v9 =	vsel vm1, $0x3F800000, v3  }
0xe5: {  	v7 =	vadd.f32 v9, v7;
	vm1 =	veq.f32 v5, $0.0e+00  }
0xe6: {  	v5 =	vld [tilespmem:s4+$0xA320];
	v9 =	vsel vm1, $0x3F800000, v3  }
0xe7: {  	vm1 =	veq.f32 v8, $0.0e+00;
	v7 =	vadd.f32 v9, v7  }
0xe8: {  	v8 =	vsel vm1, $0x3F800000, v3;
	v9 =	vld [tilespmem:s4+$0xA330]  }
0xe9: {  	v7 =	vadd.f32 v8, v7;
	vm1 =	veq.f32 v6, $0.0e+00  }
0xea: {  	v6 =	vsel vm1, $0x3F800000, v3;
	v8 =	vld [tilespmem:s4+$0xA340]  }
0xeb: {  	v6 =	vadd.f32 v6, v7;
	vm1 =	veq.f32 v5, $0.0e+00  }
0xec: {  	v5 =	vsel vm1, $0x3F800000, v3;
	v10 =	vld [tilespmem:s4+$0xA350]  }
.Ltmp4:
0xed: {  	v5 =	vadd.f32 v5, v6;
	vm1 =	veq.f32 v9, $0.0e+00;
	(pc) =	sbr.rel @p1 .LBB2_5-.Ltmp4, $4  }
0xee: {  	v7 =	vsel vm1, $0x3F800000, v3;
	v6 =	vld [tilespmem:s4+$0xA360]  }
0xef: {  	v7 =	vadd.f32 v7, v5;
	vm1 =	veq.f32 v8, $0.0e+00  }
0xf0: {  	v8 =	vsel vm1, $0x3F800000, v3;
	v5 =	vld [tilespmem:s4+$0xA370]  }
0xf1: {  	s4 =	sshra.s32 s2, $0x2;
	s2 =	sadd.s32 $0x200, s2;
	v7 =	vadd.f32 v8, v7;
	vm1 =	veq.f32 v10, $0.0e+00  }
0xf2: {  	v8 =	vld [tilespmem:s4+$0xA300];
	v9 =	vsel vm1, $0x3F800000, v3  }
0xf3: {  	v7 =	vadd.f32 v9, v7;
	vm1 =	veq.f32 v6, $0.0e+00  }
0xf4: {  	v6 =	vld [tilespmem:s4+$0xA310];
	v58 =	vsel vm1, $0x3F800000, v3  }
0xf5: {  	v7 =	vadd.f32 v58, v7;
	vm1 =	veq.f32 v5, $0.0e+00  }
0xf6: {  	v5 =	vld [tilespmem:s4+$0xA320];
	v59 =	vsel vm1, $0x3F800000, v3  }
0xf7: {  	vm1 =	veq.f32 v8, $0.0e+00;
	v7 =	vadd.f32 v59, v7  }
0xf8: {  	v60 =	vld [tilespmem:s4+$0xA330];
	v8 =	vsel vm1, $0x3F800000, v3  }
0xf9: {  	vm1 =	veq.f32 v6, $0.0e+00;
	v7 =	vadd.f32 v8, v7  }
0xfa: {  	v61 =	vld [tilespmem:s4+$0xA340];
	v6 =	vsel vm1, $0x3F800000, v3  }
0xfb: {  	vm1 =	veq.f32 v5, $0.0e+00;
	v6 =	vadd.f32 v6, v7  }
0xfc: {  	v5 =	vsel vm1, $0x3F800000, v3;
	v7 =	vld [tilespmem:s4+$0xA350]  }
0xfd: {  	vm1 =	veq.f32 v60, $0.0e+00;
	v5 =	vadd.f32 v5, v6  }
0xfe: {  	v62 =	vld [tilespmem:s4+$0xA360];
	v6 =	vsel vm1, $0x3F800000, v3  }
0xff: {  	vm1 =	veq.f32 v61, $0.0e+00;
	v5 =	vadd.f32 v6, v5  }
0x100: {  	v63 =	vld [tilespmem:s4+$0xA370];
	v6 =	vsel vm1, $0x3F800000, v3  }
0x101: {  	vm1 =	veq.f32 v7, $0.0e+00;
	v5 =	vadd.f32 v6, v5  }
0x102: {  	v6 =	vsel vm1, $0x3F800000, v3  }
0x103: {  	vm1 =	veq.f32 v62, $0.0e+00;
	v5 =	vadd.f32 v6, v5  }
0x104: {  	v6 =	vsel vm1, $0x3F800000, v3  }
0x105: {  	vm1 =	veq.f32 v63, $0.0e+00;
	v5 =	vadd.f32 v6, v5  }
0x106: {  	v6 =	vsel vm1, $0x3F800000, v3  }
0x107: {  	v5 =	vadd.f32 v6, v5;
	_ =	sdelay $0x1  }
0x108: {  	(xrf2) =	vadd.scan.msk.f32 $0xffff, v5;
	_ =	sdelay $0x9  }
0x109: {  	v5, _, _ =	vpop (xrf2)  }
0x10a: {  	(v2sf) =	vpush v5, $0xF;
	_ =	sdelay $0xe  }
0x10b: {  	s2 =	spop (v2sf)  }
0x10c: {  	s2 =	smul.f32 $9.765625000e-04, s2;
	_ =	sdelay $0x1  }
0x10d: {  	v5 =	vmov s2  }
0x10e: {  	v5 =	vadd.f32 $0.0e+00, v5;
	_ =	sdelay $0x1  }
0x10f: {  	v5 =	vbroadcast v5, $0x0;
	_ =	sdelay $0x1  }
.Ltmp5:
0x110: {  	s4 =	rddreg [dreg:$0x3];
	[tilespmem:$0xA700] =	vst v5;
	(pc) =	sbr.rel .LBB2_7-.Ltmp5, $4  }
0x111: {  	[hbm4b:s4+s5] =	stream.linear.scatter [tilespmem:s31], [sflag:$0x2], $0x80, $0x38;
	[tilespmem:$0xA780] =	vst v63  }
0x112: {  	_ =	swait.ge [sflag:s9], $0x80  }
0x113: {  	[sflag:s9] =	ssyncset.done $0x0  }
0x114: {  	[sflag:s9] =	ssyncadd.s32 $0xFFFFFF80  }
.LBB2_8:
0x115: {  	_ =	sfence.sel $0x180000  }
0x116: {  	[bflag:$0x0] =	sbarrier.arrive $0xFFFF  }
0x117: {  	_ =	strace $0x90000047  }
0x118: {  	s0 =	stileid.u32;
	[bflag:$0x2] =	sbarrier.arrive $0xFFFF  }
0x119: {  	p0 =	sne.s32 s0, $0x0;
	s0 =	rddreg [dreg:$0x4]  }
0x11a: {  	s0 =	sadd.s32 @!p0 $0x100000, s0  }
0x11b: {  	[sflag:s0] =	ssyncadd.tile.s32 @!p0 $0x1;
	_ =	shalt  }
.Lfunc_end2:
_tile_overlayer_lowered:
.L_overlay_start_2:
0x11c: {  	(tag) =	ssettag $0x2  }
0x11d: {  	s0 =	rddreg [dreg:$0x0];
	s2 =	stileid.u32  }
0x11e: {  	s1 =	rddreg [dreg:$0x1];
	p0 =	sne.s32 s2, $0x0  }
0x11f: {  	s3 =	rddreg [dreg:$0x2];
	[bflag:$0x3] =	sbarrier.arrive $0xFFFF;
	s2 =	simm.s32 @!p0 $0x1C02  }
0x120: {  	[timem:s3], [sflag:s2] =	dma.local @!p0 [hbm:s0], s1  }
0x121: {  	s0 =	simm.s32 @!p0 $0x2  }
0x122: {  	_ =	swait.ge @!p0 [sflag:s0], s1  }
0x123: {  	s1 =	ssub.s32 @!p0 $0x0, s1;
	[sflag:s0] =	ssyncset.done @!p0 $0x0  }
0x124: {  	[sflag:s0] =	ssyncadd.s32 @!p0 s1  }
0x125: {  	[bflag:$0x3] =	sbarrier.arrive $0xFFFF  }
0x126: {  	_ =	shalt  }

</sc_bundles>
